<compile_context>
chip_gen: v7x
topology: tpu7x:2x2x1
jax: 0.10.2.dev20260603
libtpu: 0.0.44.dev20260713+nightly
codegen_flags: <defaults>
</compile_context>

<pallas_src>
import functools

import jax
import jax.numpy as jnp
from jax import lax
from jax.experimental import pallas as pl
from jax.experimental.pallas import tpu as pltpu
from jax.experimental.pallas import tpu_sc as plsc

NUM_EMBEDDINGS = 100000
EMBEDDING_DIM = 128
BATCH = 4096
HIST = 200

_INFO = plsc.get_sparse_core_info()
_NC = _INFO.num_cores
_NS = _INFO.num_subcores
_NW = _NC * _NS

_TOTAL = BATCH * HIST
_CHUNK = 128
_ROWS_PER_W = _TOTAL // _NW
_CHUNKS_PER_W = _ROWS_PER_W // _CHUNK
_IDX_BLOCK = 8
_OUTER = _CHUNKS_PER_W // _IDX_BLOCK


def _make_kernel():
  mesh = plsc.VectorSubcoreMesh(core_axis_name="c", subcore_axis_name="s")

  @functools.partial(
      pl.kernel,
      mesh=mesh,
      out_type=jax.ShapeDtypeStruct((_TOTAL, EMBEDDING_DIM), jnp.float32),
      scratch_types=[
          pltpu.VMEM((2, _IDX_BLOCK, _CHUNK), jnp.int32),
          pltpu.VMEM((2, _CHUNK, EMBEDDING_DIM), jnp.float32),
          pltpu.SemaphoreType.DMA,
          pltpu.SemaphoreType.DMA,
          pltpu.SemaphoreType.DMA,
      ],
  )
  def emb_kernel(idx_hbm, table_hbm, out_hbm, idx_v, rows_v, isem, gsem,
                 wsem):
    wid = lax.axis_index("s") * _NC + lax.axis_index("c")
    row0 = wid * _CHUNKS_PER_W

    pltpu.async_copy(idx_hbm.at[pl.ds(row0, _IDX_BLOCK)], idx_v.at[0], isem)

    def outer(i, _):
      islot = lax.rem(i, 2)
      pltpu.make_async_copy(idx_hbm.at[pl.ds(row0, _IDX_BLOCK)],
                            idx_v.at[islot], isem).wait()

      @pl.when(i + 1 < _OUTER)
      def _():
        pltpu.async_copy(
            idx_hbm.at[pl.ds(row0 + (i + 1) * _IDX_BLOCK, _IDX_BLOCK)],
            idx_v.at[1 - islot], isem)

      def inner(j, _):
        c = i * _IDX_BLOCK + j
        slot = lax.rem(j, 2)

        @pl.when(c >= 2)
        def _():
          pltpu.make_async_copy(rows_v.at[slot],
                                out_hbm.at[pl.ds(0, _CHUNK)], wsem).wait()

        pltpu.async_copy(table_hbm.at[idx_v.at[islot, j]], rows_v.at[slot],
                         gsem).wait()
        out_base = (row0 + c) * _CHUNK
        pltpu.async_copy(rows_v.at[slot], out_hbm.at[pl.ds(out_base, _CHUNK)],
                         wsem)
        return 0

      lax.fori_loop(0, _IDX_BLOCK, inner, 0, unroll=False)
      return 0

    lax.fori_loop(0, _OUTER, outer, 0, unroll=False)

    pltpu.make_async_copy(rows_v.at[0], out_hbm.at[pl.ds(0, _CHUNK)],
                          wsem).wait()
    pltpu.make_async_copy(rows_v.at[1], out_hbm.at[pl.ds(0, _CHUNK)],
                          wsem).wait()

  return emb_kernel


_EMB = _make_kernel()


@jax.jit
def kernel(input_, weight):
  idx2d = input_.reshape(_TOTAL // _CHUNK, _CHUNK)
  out = _EMB(idx2d, weight)
  return out.reshape(BATCH, HIST, EMBEDDING_DIM)

# --- scband reference (transcript-rebuilt; emitter-appended) ---
"""Pipeline reference for scband-vocab-parallel-embedding-29970281791735 (READ-ONLY COPY).

The authoritative reference and input builder live on the scoring server;
editing this copy changes nothing except your own understanding.
"""

import jax, jax.numpy as jnp
import numpy as np

NUM_EMBEDDINGS = 100000
EMBEDDING_DIM = 128
BATCH = 4096
HIST = 200

def setup_inputs(seed: int = 0) -> dict:
    key = jax.random.key(seed)
    k1, k2 = jax.random.split(key)
    input_ = jax.random.randint(k1, (BATCH, HIST), 0, NUM_EMBEDDINGS, dtype=jnp.int32)
    # xavier_normal-like init for the embedding table
    std = float(np.sqrt(2.0 / (NUM_EMBEDDINGS + EMBEDDING_DIM)))
    weight = jax.random.normal(k2, (NUM_EMBEDDINGS, EMBEDDING_DIM), dtype=jnp.float32) * std
    return {"input_": input_, "weight": weight}

def reference(input_, weight):
    # model_parallel_size == 1 path: plain embedding lookup,
    # reduce_from_model_parallel_region is identity on a single partition.
    output = jnp.take(weight, input_, axis=0)
    return output

if __name__ == "__main__":
    import jax
    _d = setup_inputs()
    print(jax.jit(kernel)(*tuple(_d.values())))

</pallas_src>

<mosaic_0001>
#map = affine_map<(d0, d1) -> (0, 0)>
module attributes {stable_mosaic.version = 14 : i64} {
  func.func @emb_kernel(%arg0: i32, %arg1: i32, %arg2: memref<6400x128xi32, #tpu.memory_space<hbm>>, %arg3: memref<100000x128xf32, #tpu.memory_space<hbm>>, %arg4: memref<819200x128xf32, #tpu.memory_space<hbm>>, %arg5: memref<2x8x128xi32, #tpu.memory_space<vmem>>, %arg6: memref<2x128x128xf32, #tpu.memory_space<vmem>>, %arg7: memref<!tpu.dma_semaphore, #tpu.memory_space<semaphore_mem>>, %arg8: memref<!tpu.dma_semaphore, #tpu.memory_space<semaphore_mem>>, %arg9: memref<!tpu.dma_semaphore, #tpu.memory_space<semaphore_mem>>) attributes {dimension_semantics = [#tpu.dimension_semantics<core_parallel>, #tpu.dimension_semantics<subcore_parallel>], iteration_bounds = array<i64: 2, 16>, scalar_prefetch = 0 : i64, scratch_operands = 5 : i64, tpu.core_type = #tpu.core_type<sc_vector_subcore>, window_params = [{transform_indices = #map}, {transform_indices = #map}, {transform_indices = #map}]} {
    %mul3A = arith.constant 2 : i32
    %mul3A_0 = arith.muli %arg1, %mul3A : i32
    %add3A = arith.addi %mul3A_0, %arg0 : i32
    %mul3A_1 = arith.constant 200 : i32
    %mul3A_2 = arith.muli %add3A, %mul3A_1 : i32
    %dma_start3A = arith.constant 0 : i32
    %dma_start3A_3 = arith.constant 0 : i32
    %dma_start3A_4 = arith.constant 0 : i32
    %dma_start3A_5 = tpu.memref_slice %arg5[%dma_start3A, %dma_start3A_3, %dma_start3A_4] : memref<2x8x128xi32, #tpu.memory_space<vmem>> -> memref<1x8x128xi32, #tpu.memory_space<vmem>>
    %dma_start3A_6 = tpu.memref_squeeze %dma_start3A_5 : memref<1x8x128xi32, #tpu.memory_space<vmem>> -> memref<8x128xi32, #tpu.memory_space<vmem>>
    %dma_start3A_7 = arith.constant 0 : i32
    %dma_start3A_8 = tpu.memref_slice %arg2[%mul3A_2, %dma_start3A_7] : memref<6400x128xi32, #tpu.memory_space<hbm>> -> memref<8x128xi32, #tpu.memory_space<hbm>>
    %dma_start3A_9 = arith.constant 0 : i32
    %dma_start3A_10 = arith.constant 0 : i32
    %dma_start3A_11 = tpu.memref_slice %arg5[%dma_start3A, %dma_start3A_9, %dma_start3A_10] : memref<2x8x128xi32, #tpu.memory_space<vmem>> -> memref<1x8x128xi32, #tpu.memory_space<vmem>>
    %dma_start3A_12 = tpu.memref_squeeze %dma_start3A_11 : memref<1x8x128xi32, #tpu.memory_space<vmem>> -> memref<8x128xi32, #tpu.memory_space<vmem>>
    %dma_start3A_13 = arith.constant 0 : i32
    %dma_start3A_14 = tpu.memref_slice %arg2[%mul3A_2, %dma_start3A_13] : memref<6400x128xi32, #tpu.memory_space<hbm>> -> memref<8x128xi32, #tpu.memory_space<hbm>>
    tpu.enqueue_dma source(%dma_start3A_14 : memref<8x128xi32, #tpu.memory_space<hbm>>) target(%dma_start3A_12 : memref<8x128xi32, #tpu.memory_space<vmem>>) target_semaphore(%arg7 : memref<!tpu.dma_semaphore, #tpu.memory_space<semaphore_mem>>)
    %scan3A = arith.constant 0 : i32
    %scan3A_15 = arith.constant 0 : i32
    %scan3A_16 = arith.constant 25 : i32
    %scan3A_17 = arith.addi %scan3A_15, %scan3A_16 : i32
    %scan3A_18 = arith.constant 1 : i32
    %scan3A_19 = scf.for %scan3A_50 = %scan3A_15 to %scan3A_17 step %scan3A_18 iter_args(%scan3A_51 = %scan3A) -> (i32)  : i32 {
      %rem3A = arith.constant 2 : i32
      %rem3A_52 = arith.remsi %scan3A_50, %rem3A : i32
      %dma_wait3A_53 = arith.constant 0 : i32
      %dma_wait3A_54 = arith.constant 0 : i32
      %dma_wait3A_55 = tpu.memref_slice %arg5[%rem3A_52, %dma_wait3A_53, %dma_wait3A_54] : memref<2x8x128xi32, #tpu.memory_space<vmem>> -> memref<1x8x128xi32, #tpu.memory_space<vmem>>
      %dma_wait3A_56 = tpu.memref_squeeze %dma_wait3A_55 : memref<1x8x128xi32, #tpu.memory_space<vmem>> -> memref<8x128xi32, #tpu.memory_space<vmem>>
      %dma_wait3A_57 = arith.constant 0 : i32
      %dma_wait3A_58 = tpu.memref_slice %arg2[%mul3A_2, %dma_wait3A_57] : memref<6400x128xi32, #tpu.memory_space<hbm>> -> memref<8x128xi32, #tpu.memory_space<hbm>>
      %dma_wait3A_59 = arith.constant 0 : i32
      %dma_wait3A_60 = arith.constant 0 : i32
      %dma_wait3A_61 = tpu.memref_slice %arg5[%rem3A_52, %dma_wait3A_59, %dma_wait3A_60] : memref<2x8x128xi32, #tpu.memory_space<vmem>> -> memref<1x8x128xi32, #tpu.memory_space<vmem>>
      %dma_wait3A_62 = tpu.memref_squeeze %dma_wait3A_61 : memref<1x8x128xi32, #tpu.memory_space<vmem>> -> memref<8x128xi32, #tpu.memory_space<vmem>>
      %dma_wait3A_63 = arith.constant 0 : i32
      %dma_wait3A_64 = tpu.memref_slice %arg2[%mul3A_2, %dma_wait3A_63] : memref<6400x128xi32, #tpu.memory_space<hbm>> -> memref<8x128xi32, #tpu.memory_space<hbm>>
      tpu.wait_dma2 semaphore(%arg7 : memref<!tpu.dma_semaphore, #tpu.memory_space<semaphore_mem>>) src(%dma_wait3A_64 : memref<8x128xi32, #tpu.memory_space<hbm>>) dst(%dma_wait3A_62 : memref<8x128xi32, #tpu.memory_space<vmem>>)
      %add3A_65 = arith.constant 1 : i32
      %add3A_66 = arith.addi %scan3A_50, %add3A_65 : i32
      %lt3A = arith.constant 25 : i32
      %lt3A_67 = arith.cmpi slt, %add3A_66, %lt3A : i32
      %convert_element_type3A = arith.extui %lt3A_67 : i1 to i32
      %cond3A = arith.constant 0 : i32
      %cond3A_68 = arith.cmpi ne, %convert_element_type3A, %cond3A : i32
      scf.if %cond3A_68 {
        %add3A_77 = arith.constant 1 : i32
        %add3A_78 = arith.addi %scan3A_50, %add3A_77 : i32
        %mul3A_79 = arith.constant 8 : i32
        %mul3A_80 = arith.muli %add3A_78, %mul3A_79 : i32
        %add3A_81 = arith.addi %mul3A_2, %mul3A_80 : i32
        %sub3A = arith.constant 1 : i32
        %sub3A_82 = arith.subi %sub3A, %rem3A_52 : i32
        %dma_start3A_83 = arith.constant 0 : i32
        %dma_start3A_84 = arith.constant 0 : i32
        %dma_start3A_85 = tpu.memref_slice %arg5[%sub3A_82, %dma_start3A_83, %dma_start3A_84] : memref<2x8x128xi32, #tpu.memory_space<vmem>> -> memref<1x8x128xi32, #tpu.memory_space<vmem>>
        %dma_start3A_86 = tpu.memref_squeeze %dma_start3A_85 : memref<1x8x128xi32, #tpu.memory_space<vmem>> -> memref<8x128xi32, #tpu.memory_space<vmem>>
        %dma_start3A_87 = arith.constant 0 : i32
        %dma_start3A_88 = tpu.memref_slice %arg2[%add3A_81, %dma_start3A_87] : memref<6400x128xi32, #tpu.memory_space<hbm>> -> memref<8x128xi32, #tpu.memory_space<hbm>>
        %dma_start3A_89 = arith.constant 0 : i32
        %dma_start3A_90 = arith.constant 0 : i32
        %dma_start3A_91 = tpu.memref_slice %arg5[%sub3A_82, %dma_start3A_89, %dma_start3A_90] : memref<2x8x128xi32, #tpu.memory_space<vmem>> -> memref<1x8x128xi32, #tpu.memory_space<vmem>>
        %dma_start3A_92 = tpu.memref_squeeze %dma_start3A_91 : memref<1x8x128xi32, #tpu.memory_space<vmem>> -> memref<8x128xi32, #tpu.memory_space<vmem>>
        %dma_start3A_93 = arith.constant 0 : i32
        %dma_start3A_94 = tpu.memref_slice %arg2[%add3A_81, %dma_start3A_93] : memref<6400x128xi32, #tpu.memory_space<hbm>> -> memref<8x128xi32, #tpu.memory_space<hbm>>
        tpu.enqueue_dma source(%dma_start3A_94 : memref<8x128xi32, #tpu.memory_space<hbm>>) target(%dma_start3A_92 : memref<8x128xi32, #tpu.memory_space<vmem>>) target_semaphore(%arg7 : memref<!tpu.dma_semaphore, #tpu.memory_space<semaphore_mem>>)
      } else {
      }
      %scan3A_69 = arith.constant 0 : i32
      %scan3A_70 = arith.constant 0 : i32
      %scan3A_71 = arith.constant 8 : i32
      %scan3A_72 = arith.addi %scan3A_70, %scan3A_71 : i32
      %scan3A_73 = arith.constant 1 : i32
      %scan3A_74 = scf.for %scan3A_77 = %scan3A_70 to %scan3A_72 step %scan3A_73 iter_args(%scan3A_78 = %scan3A_69) -> (i32)  : i32 {
        %mul3A_79 = arith.constant 8 : i32
        %mul3A_80 = arith.muli %scan3A_50, %mul3A_79 : i32
        %add3A_81 = arith.addi %mul3A_80, %scan3A_77 : i32
        %rem3A_82 = arith.constant 2 : i32
        %rem3A_83 = arith.remsi %scan3A_77, %rem3A_82 : i32
        %ge3A = arith.constant 2 : i32
        %ge3A_84 = arith.cmpi sge, %add3A_81, %ge3A : i32
        %convert_element_type3A_85 = arith.extui %ge3A_84 : i1 to i32
        %cond3A_86 = arith.constant 0 : i32
        %cond3A_87 = arith.cmpi ne, %convert_element_type3A_85, %cond3A_86 : i32
        scf.if %cond3A_87 {
          %dma_wait3A_124 = arith.constant 0 : i32
          %dma_wait3A_125 = arith.constant 0 : i32
          %dma_wait3A_126 = tpu.memref_slice %arg6[%rem3A_83, %dma_wait3A_124, %dma_wait3A_125] : memref<2x128x128xf32, #tpu.memory_space<vmem>> -> memref<1x128x128xf32, #tpu.memory_space<vmem>>
          %dma_wait3A_127 = tpu.memref_squeeze %dma_wait3A_126 : memref<1x128x128xf32, #tpu.memory_space<vmem>> -> memref<128x128xf32, #tpu.memory_space<vmem>>
          %dma_wait3A_128 = arith.constant 0 : i32
          %dma_wait3A_129 = arith.constant 0 : i32
          %dma_wait3A_130 = tpu.memref_slice %arg4[%dma_wait3A_128, %dma_wait3A_129] : memref<819200x128xf32, #tpu.memory_space<hbm>> -> memref<128x128xf32, #tpu.memory_space<hbm>>
          %dma_wait3A_131 = arith.constant 0 : i32
          %dma_wait3A_132 = arith.constant 0 : i32
          %dma_wait3A_133 = tpu.memref_slice %arg4[%dma_wait3A_131, %dma_wait3A_132] : memref<819200x128xf32, #tpu.memory_space<hbm>> -> memref<128x128xf32, #tpu.memory_space<hbm>>
          %dma_wait3A_134 = arith.constant 0 : i32
          %dma_wait3A_135 = arith.constant 0 : i32
          %dma_wait3A_136 = tpu.memref_slice %arg6[%rem3A_83, %dma_wait3A_134, %dma_wait3A_135] : memref<2x128x128xf32, #tpu.memory_space<vmem>> -> memref<1x128x128xf32, #tpu.memory_space<vmem>>
          %dma_wait3A_137 = tpu.memref_squeeze %dma_wait3A_136 : memref<1x128x128xf32, #tpu.memory_space<vmem>> -> memref<128x128xf32, #tpu.memory_space<vmem>>
          tpu.wait_dma2 semaphore(%arg9 : memref<!tpu.dma_semaphore, #tpu.memory_space<semaphore_mem>>) src(%dma_wait3A_137 : memref<128x128xf32, #tpu.memory_space<vmem>>) dst(%dma_wait3A_133 : memref<128x128xf32, #tpu.memory_space<hbm>>)
        } else {
        }
        %dma_start3A_88 = arith.constant 0 : i32
        %dma_start3A_89 = arith.constant 0 : i32
        %dma_start3A_90 = tpu.memref_slice %arg6[%rem3A_83, %dma_start3A_88, %dma_start3A_89] : memref<2x128x128xf32, #tpu.memory_space<vmem>> -> memref<1x128x128xf32, #tpu.memory_space<vmem>>
        %dma_start3A_91 = tpu.memref_squeeze %dma_start3A_90 : memref<1x128x128xf32, #tpu.memory_space<vmem>> -> memref<128x128xf32, #tpu.memory_space<vmem>>
        %dma_start3A_92 = arith.constant 0 : i32
        %dma_start3A_93 = tpu.memref_slice %arg5[%rem3A_52, %scan3A_77, %dma_start3A_92] : memref<2x8x128xi32, #tpu.memory_space<vmem>> -> memref<1x1x128xi32, #tpu.memory_space<vmem>>
        %dma_start3A_94 = tpu.memref_squeeze %dma_start3A_93 : memref<1x1x128xi32, #tpu.memory_space<vmem>> -> memref<128xi32, #tpu.memory_space<vmem>>
        %dma_start3A_95 = arith.constant 0 : i32
        %dma_start3A_96 = arith.constant 0 : i32
        %dma_start3A_97 = tpu.memref_slice %arg3[%dma_start3A_95, %dma_start3A_96] : memref<100000x128xf32, #tpu.memory_space<hbm>> -> memref<100000x128xf32, #tpu.memory_space<hbm>>
        tpu.enqueue_indirect_dma source(%dma_start3A_97 : memref<100000x128xf32, #tpu.memory_space<hbm>>) target(%dma_start3A_91 : memref<128x128xf32, #tpu.memory_space<vmem>>) offsets(%dma_start3A_94 : memref<128xi32, #tpu.memory_space<vmem>>) semaphore(%arg8 : memref<!tpu.dma_semaphore, #tpu.memory_space<semaphore_mem>>)
        %dma_wait3A_98 = arith.constant 0 : i32
        %dma_wait3A_99 = arith.constant 0 : i32
        %dma_wait3A_100 = tpu.memref_slice %arg6[%rem3A_83, %dma_wait3A_98, %dma_wait3A_99] : memref<2x128x128xf32, #tpu.memory_space<vmem>> -> memref<1x128x128xf32, #tpu.memory_space<vmem>>
        %dma_wait3A_101 = tpu.memref_squeeze %dma_wait3A_100 : memref<1x128x128xf32, #tpu.memory_space<vmem>> -> memref<128x128xf32, #tpu.memory_space<vmem>>
        %dma_wait3A_102 = arith.constant 0 : i32
        %dma_wait3A_103 = tpu.memref_slice %arg5[%rem3A_52, %scan3A_77, %dma_wait3A_102] : memref<2x8x128xi32, #tpu.memory_space<vmem>> -> memref<1x1x128xi32, #tpu.memory_space<vmem>>
        %dma_wait3A_104 = tpu.memref_squeeze %dma_wait3A_103 : memref<1x1x128xi32, #tpu.memory_space<vmem>> -> memref<128xi32, #tpu.memory_space<vmem>>
        %dma_wait3A_105 = arith.constant 0 : i32
        %dma_wait3A_106 = arith.constant 0 : i32
        %dma_wait3A_107 = tpu.memref_slice %arg3[%dma_wait3A_105, %dma_wait3A_106] : memref<100000x128xf32, #tpu.memory_space<hbm>> -> memref<100000x128xf32, #tpu.memory_space<hbm>>
        tpu.wait_indirect_dma semaphore(%arg8 : memref<!tpu.dma_semaphore, #tpu.memory_space<semaphore_mem>>) src(%dma_wait3A_107 : memref<100000x128xf32, #tpu.memory_space<hbm>>) dst(%dma_wait3A_101 : memref<128x128xf32, #tpu.memory_space<vmem>>)
        %add3A_108 = arith.addi %mul3A_2, %add3A_81 : i32
        %mul3A_109 = arith.constant 128 : i32
        %mul3A_110 = arith.muli %add3A_108, %mul3A_109 : i32
        %dma_start3A_111 = arith.constant 0 : i32
        %dma_start3A_112 = arith.constant 0 : i32
        %dma_start3A_113 = tpu.memref_slice %arg6[%rem3A_83, %dma_start3A_111, %dma_start3A_112] : memref<2x128x128xf32, #tpu.memory_space<vmem>> -> memref<1x128x128xf32, #tpu.memory_space<vmem>>
        %dma_start3A_114 = tpu.memref_squeeze %dma_start3A_113 : memref<1x128x128xf32, #tpu.memory_space<vmem>> -> memref<128x128xf32, #tpu.memory_space<vmem>>
        %dma_start3A_115 = arith.constant 0 : i32
        %dma_start3A_116 = tpu.memref_slice %arg4[%mul3A_110, %dma_start3A_115] : memref<819200x128xf32, #tpu.memory_space<hbm>> -> memref<128x128xf32, #tpu.memory_space<hbm>>
        %dma_start3A_117 = arith.constant 0 : i32
        %dma_start3A_118 = tpu.memref_slice %arg4[%mul3A_110, %dma_start3A_117] : memref<819200x128xf32, #tpu.memory_space<hbm>> -> memref<128x128xf32, #tpu.memory_space<hbm>>
        %dma_start3A_119 = arith.constant 0 : i32
        %dma_start3A_120 = arith.constant 0 : i32
        %dma_start3A_121 = tpu.memref_slice %arg6[%rem3A_83, %dma_start3A_119, %dma_start3A_120] : memref<2x128x128xf32, #tpu.memory_space<vmem>> -> memref<1x128x128xf32, #tpu.memory_space<vmem>>
        %dma_start3A_122 = tpu.memref_squeeze %dma_start3A_121 : memref<1x128x128xf32, #tpu.memory_space<vmem>> -> memref<128x128xf32, #tpu.memory_space<vmem>>
        tpu.enqueue_dma source(%dma_start3A_122 : memref<128x128xf32, #tpu.memory_space<vmem>>) target(%dma_start3A_118 : memref<128x128xf32, #tpu.memory_space<hbm>>) target_semaphore(%arg9 : memref<!tpu.dma_semaphore, #tpu.memory_space<semaphore_mem>>)
        %scan3A_123 = arith.constant 0 : i32
        scf.yield %scan3A_123 : i32
      }
      %scan3A_75 = arith.constant 8 : i32
      %scan3A_76 = arith.constant 0 : i32
      scf.yield %scan3A_76 : i32
    }
    %scan3A_20 = arith.constant 25 : i32
    %dma_wait3A = arith.constant 0 : i32
    %dma_wait3A_21 = arith.constant 0 : i32
    %dma_wait3A_22 = arith.constant 0 : i32
    %dma_wait3A_23 = tpu.memref_slice %arg6[%dma_wait3A, %dma_wait3A_21, %dma_wait3A_22] : memref<2x128x128xf32, #tpu.memory_space<vmem>> -> memref<1x128x128xf32, #tpu.memory_space<vmem>>
    %dma_wait3A_24 = tpu.memref_squeeze %dma_wait3A_23 : memref<1x128x128xf32, #tpu.memory_space<vmem>> -> memref<128x128xf32, #tpu.memory_space<vmem>>
    %dma_wait3A_25 = arith.constant 0 : i32
    %dma_wait3A_26 = arith.constant 0 : i32
    %dma_wait3A_27 = tpu.memref_slice %arg4[%dma_wait3A_25, %dma_wait3A_26] : memref<819200x128xf32, #tpu.memory_space<hbm>> -> memref<128x128xf32, #tpu.memory_space<hbm>>
    %dma_wait3A_28 = arith.constant 0 : i32
    %dma_wait3A_29 = arith.constant 0 : i32
    %dma_wait3A_30 = tpu.memref_slice %arg4[%dma_wait3A_28, %dma_wait3A_29] : memref<819200x128xf32, #tpu.memory_space<hbm>> -> memref<128x128xf32, #tpu.memory_space<hbm>>
    %dma_wait3A_31 = arith.constant 0 : i32
    %dma_wait3A_32 = arith.constant 0 : i32
    %dma_wait3A_33 = tpu.memref_slice %arg6[%dma_wait3A, %dma_wait3A_31, %dma_wait3A_32] : memref<2x128x128xf32, #tpu.memory_space<vmem>> -> memref<1x128x128xf32, #tpu.memory_space<vmem>>
    %dma_wait3A_34 = tpu.memref_squeeze %dma_wait3A_33 : memref<1x128x128xf32, #tpu.memory_space<vmem>> -> memref<128x128xf32, #tpu.memory_space<vmem>>
    tpu.wait_dma2 semaphore(%arg9 : memref<!tpu.dma_semaphore, #tpu.memory_space<semaphore_mem>>) src(%dma_wait3A_34 : memref<128x128xf32, #tpu.memory_space<vmem>>) dst(%dma_wait3A_30 : memref<128x128xf32, #tpu.memory_space<hbm>>)
    %dma_wait3A_35 = arith.constant 1 : i32
    %dma_wait3A_36 = arith.constant 0 : i32
    %dma_wait3A_37 = arith.constant 0 : i32
    %dma_wait3A_38 = tpu.memref_slice %arg6[%dma_wait3A_35, %dma_wait3A_36, %dma_wait3A_37] : memref<2x128x128xf32, #tpu.memory_space<vmem>> -> memref<1x128x128xf32, #tpu.memory_space<vmem>>
    %dma_wait3A_39 = tpu.memref_squeeze %dma_wait3A_38 : memref<1x128x128xf32, #tpu.memory_space<vmem>> -> memref<128x128xf32, #tpu.memory_space<vmem>>
    %dma_wait3A_40 = arith.constant 0 : i32
    %dma_wait3A_41 = arith.constant 0 : i32
    %dma_wait3A_42 = tpu.memref_slice %arg4[%dma_wait3A_40, %dma_wait3A_41] : memref<819200x128xf32, #tpu.memory_space<hbm>> -> memref<128x128xf32, #tpu.memory_space<hbm>>
    %dma_wait3A_43 = arith.constant 0 : i32
    %dma_wait3A_44 = arith.constant 0 : i32
    %dma_wait3A_45 = tpu.memref_slice %arg4[%dma_wait3A_43, %dma_wait3A_44] : memref<819200x128xf32, #tpu.memory_space<hbm>> -> memref<128x128xf32, #tpu.memory_space<hbm>>
    %dma_wait3A_46 = arith.constant 0 : i32
    %dma_wait3A_47 = arith.constant 0 : i32
    %dma_wait3A_48 = tpu.memref_slice %arg6[%dma_wait3A_35, %dma_wait3A_46, %dma_wait3A_47] : memref<2x128x128xf32, #tpu.memory_space<vmem>> -> memref<1x128x128xf32, #tpu.memory_space<vmem>>
    %dma_wait3A_49 = tpu.memref_squeeze %dma_wait3A_48 : memref<1x128x128xf32, #tpu.memory_space<vmem>> -> memref<128x128xf32, #tpu.memory_space<vmem>>
    tpu.wait_dma2 semaphore(%arg9 : memref<!tpu.dma_semaphore, #tpu.memory_space<semaphore_mem>>) src(%dma_wait3A_49 : memref<128x128xf32, #tpu.memory_space<vmem>>) dst(%dma_wait3A_45 : memref<128x128xf32, #tpu.memory_space<hbm>>)
    return
  }
}

</mosaic_0001>

<sc_bundles>
// kernel: kernel.3.cloned.1.call-start
scs
__scs_entry_jumppad:
0x0: {  	(pc) =	sbr.rel $0x88, $3  }
0x1: {  	(tag) =	ssettag $0x0;
	lr =	simm.s32 $0x1  }
0x2: {  	[smem:$0x3F9F] =	sst lr;
	_ =	strace $0xD0000000  }
0x3: {  	_ = 	snop  }
0x4: {  	_ = 	snop  }
0x5: {  	_ = 	snop  }
0x6: {  	_ = 	snop  }
0x7: {  	_ = 	snop  }
__scs_overlays_trampoline_lowered:
0x8: {  	[smem:$0x3FAE] =	sst s0  }
0x9: {  	[smem:$0x3FAF] =	sst s1  }
0xa: {  	[smem:$0x3FB0] =	sst s2  }
0xb: {  	[smem:$0x3FB1] =	sst s3  }
0xc: {  	[smem:$0x3FB2] =	sst s4  }
0xd: {  	[smem:$0x3FB3] =	sst s5  }
0xe: {  	[smem:$0x3FB4] =	sst s6  }
0xf: {  	[smem:$0x3FB5] =	sst s7  }
0x10: {  	[smem:$0x3FB6] =	sst s8  }
0x11: {  	[smem:$0x3FB7] =	sst s9;
	s0 =	simm.s32 @!p0 $0x0  }
0x12: {  	s1 =	sld [smem:$0x3F9D];
	s0 =	simm.s32 @p0 $0x1  }
0x13: {  	[smem:$0x3FB8] =	sst s0;
	s0 =	simm.s32 @!p1 $0x0  }
0x14: {  	s2 =	sld [smem:$0x3F9C];
	s0 =	simm.s32 @p1 $0x1  }
0x15: {  	[smem:$0x3FB9] =	sst s0;
	s0 =	simm.s32 @!p2 $0x0  }
0x16: {  	s3 =	sld [smem:$0x3FDB];
	s0 =	simm.s32 @p2 $0x1  }
0x17: {  	s4 =	simm.s32 $0x1BF5;
	[smem:$0x3FBB] =	sst s0  }
0x18: {  	s0 =	sld [smem:$0x3F9E];
	_ =	swait.ge [sflag:s4], $0x0  }
0x19: {  	s7 =	sld [smem:$0x3F9F]  }
0x1a: {  	s8 =	sadd.s32 $0xFFFFE003, lr  }
0x1b: {  	s9 =	sadd.s32 $0xFFFFFEF7, lr;
	s5 =	simm.s32 $0xFFFFFFFF;
	p2 =	slt.u32 s8, $0xFFFFF086  }
0x1c: {  	p1 =	slt.u32 s9, $0xF7A;
	s5 =	simm.s32 @!p2 $0x0  }
0x1d: {  	s5 =	simm.s32 @p1 $0x1;
	p0 =	seq.s32 s7, s2  }
0x1e: {  	s7 =	smul.u32 @!p0 $0xF7A, s2;
	p2 =	seq.s32 @!p0 s5, $0x0  }
0x1f: {  	s9 =	smul.u32 $0xF7A, s1;
	s8 =	simm.s32 @!p0 $0x1BF5;
	p2 =	por !p2, p0  }
0x20: {  	[sflag:s8] =	ssyncset.s32 @!p0 $0xFFFFF086;
	s6 =	sadd.s32 @!p0 s3, s7;
	s7 =	simm.s32 @!p0 $0x108  }
0x21: {  	s3 =	sadd.s32 s3, s9;
	s6 =	sadd.s32 @!p0 $0x88, s6;
	s7 =	simm.s32 @p2 $0x1082  }
0x22: {  	[simem:s7], [sflag:s8] =	dma.local @!p0 [hbm:s6], $0xF7A  }
0x23: {  	s9 =	sor.u32 $0xD0000000, s2;
	s6 =	simm.s32 $0x108;
	_ =	swait.ge @!p0 [sflag:s8], $0x0  }
0x24: {  	s3 =	sadd.s32 $0x88, s3;
	s6 =	simm.s32 @!p1 $0x1082;
	[sflag:s4] =	ssyncset.s32 $0xFFFFF086  }
0x25: {  	[simem:s6], [sflag:s4] =	dma.local [hbm:s3], $0xF7A  }
0x26: {  	[smem:$0x3F9F] =	sst s1;
	(tag) =	ssettag s2;
	_ =	strace s9  }
0x27: {  	s1 =	sld [smem:$0x3FAF]  }
0x28: {  	s2 =	sld [smem:$0x3FB0]  }
0x29: {  	s4 =	sld [smem:$0x3FB2]  }
0x2a: {  	p0 =	seq.s32 s5, $0x0;
	s5 =	sld [smem:$0x3FB3]  }
0x2b: {  	s6 =	sld [smem:$0x3FB4]  }
0x2c: {  	s7 =	sld [smem:$0x3FB5]  }
0x2d: {  	s3 =	simm.s32 $0x108;
	s8 =	sld [smem:$0x3FB6]  }
0x2e: {  	s3 =	simm.s32 @!p0 $0x1082;
	s9 =	sld [smem:$0x3FB7]  }
0x2f: {  	lr =	sadd.s32 s0, s3;
	s0 =	sld [smem:$0x3FAE]  }
0x30: {  	s3 =	sld [smem:$0x3FB1]  }
0x31: {  	[smem:$0x3FBA] =	sst s10  }
0x32: {  	s10 =	sld [smem:$0x3FB8];
	_ =	sdelay $0x3  }
0x33: {  	p0 =	seq.s32 s10, $0x1;
	s10 =	sld [smem:$0x3FBA];
	_ =	sdelay $0x3  }
0x34: {  	[smem:$0x3FBA] =	sst s10  }
0x35: {  	s10 =	sld [smem:$0x3FB9];
	_ =	sdelay $0x3  }
0x36: {  	p1 =	seq.s32 s10, $0x1;
	s10 =	sld [smem:$0x3FBA];
	_ =	sdelay $0x3  }
0x37: {  	[smem:$0x3FBA] =	sst s10  }
0x38: {  	s10 =	sld [smem:$0x3FBB]  }
0x39: {  	_ = 	snop;
	(pc) =	sbr.ind lr, $3  }
0x3a: {  	_ = 	snop  }
0x3b: {  	_ = 	snop  }
0x3c: {  	p2 =	seq.s32 s10, $0x1;
	s10 =	sld [smem:$0x3FBA]  }
0x3d: {  	_ =	shalt  }
0x3e: {  	_ =	shalt  }
0x3f: {  	_ =	shalt  }
0x40: {  	_ =	shalt  }
0x41: {  	_ =	shalt  }
0x42: {  	_ =	shalt  }
0x43: {  	_ =	shalt  }
0x44: {  	_ =	shalt  }
0x45: {  	_ =	shalt  }
0x46: {  	_ =	shalt  }
0x47: {  	_ =	shalt  }
0x48: {  	_ =	shalt  }
0x49: {  	_ =	shalt  }
0x4a: {  	_ =	shalt  }
0x4b: {  	_ =	shalt  }
0x4c: {  	_ =	shalt  }
0x4d: {  	_ =	shalt  }
0x4e: {  	_ =	shalt  }
0x4f: {  	_ =	shalt  }
0x50: {  	_ =	shalt  }
0x51: {  	_ =	shalt  }
0x52: {  	_ =	shalt  }
0x53: {  	_ =	shalt  }
0x54: {  	_ =	shalt  }
0x55: {  	_ =	shalt  }
0x56: {  	_ =	shalt  }
0x57: {  	_ =	shalt  }
0x58: {  	_ =	shalt  }
0x59: {  	_ =	shalt  }
0x5a: {  	_ =	shalt  }
0x5b: {  	_ =	shalt  }
0x5c: {  	_ =	shalt  }
0x5d: {  	_ =	shalt  }
0x5e: {  	_ =	shalt  }
0x5f: {  	_ =	shalt  }
0x60: {  	_ =	shalt  }
0x61: {  	_ =	shalt  }
0x62: {  	_ =	shalt  }
0x63: {  	_ =	shalt  }
0x64: {  	_ =	shalt  }
0x65: {  	_ =	shalt  }
0x66: {  	_ =	shalt  }
0x67: {  	_ =	shalt  }
0x68: {  	_ =	shalt  }
0x69: {  	_ =	shalt  }
0x6a: {  	_ =	shalt  }
0x6b: {  	_ =	shalt  }
0x6c: {  	_ =	shalt  }
0x6d: {  	_ =	shalt  }
0x6e: {  	_ =	shalt  }
0x6f: {  	_ =	shalt  }
0x70: {  	_ =	shalt  }
0x71: {  	_ =	shalt  }
0x72: {  	_ =	shalt  }
0x73: {  	_ =	shalt  }
0x74: {  	_ =	shalt  }
0x75: {  	_ =	shalt  }
0x76: {  	_ =	shalt  }
0x77: {  	_ =	shalt  }
0x78: {  	_ =	shalt  }
0x79: {  	_ =	shalt  }
0x7a: {  	_ =	shalt  }
0x7b: {  	_ =	shalt  }
0x7c: {  	_ =	shalt  }
0x7d: {  	_ =	shalt  }
0x7e: {  	_ =	shalt  }
0x7f: {  	_ =	shalt  }
0x80: {  	_ =	shalt  }
0x81: {  	_ =	shalt  }
0x82: {  	_ =	shalt  }
0x83: {  	_ =	shalt  }
0x84: {  	_ =	shalt  }
0x85: {  	_ =	shalt  }
0x86: {  	_ =	shalt  }
0x87: {  	_ =	shalt  }
.Lfunc_end0:
.L_simem_size_0:
called_computation_lowered:
.L_overlay_start_0:
0x88: {  	s2 =	sld [smem:$0x3FD9]  }
0x89: {  	s3 =	sld [smem:$0x3FFE];
	_ =	sdelay $0x1  }
0x8a: {  	s1 =	srdreg.scid  }
0x8b: {  	s0 =	sand.u32 $0x1, s1  }
0x8c: {  	s17 =	sshll.u32 s0, $0xA;
	s2 =	sadd.s32 s3, s2  }
0x8d: {  	s2 =	sadd.s32 s2, s17  }
0x8e: {  	[smem:$0x3FC6] =	sst s2  }
0x8f: {  	_ = 	snop  }
0x90: {  	s2 =	sld [smem:$0x3FC8]  }
0x91: {  	s18 =	sld [smem:$0x3FD0];
	(tm) =	ssettm $0x1  }
0x92: {  	s4 =	sld [smem:$0x3FFB];
	_ =	sdelay $0x3  }
0x93: {  	_ =	strace s4  }
0x94: {  	s4 =	sld [smem:$0x3FFC];
	_ =	sdelay $0x3  }
0x95: {  	_ =	strace s4  }
0x96: {  	s4 =	sld [smem:$0x3FFD];
	_ =	sdelay $0x3  }
0x97: {  	_ =	strace s4  }
0x98: {  	_ =	strace $0x8FFFFFFF  }
0x99: {  	s19 =	sld [smem:$0x3FDB];
	_ =	sdelay $0x1  }
0x9a: {  	s5 =	simm.s32 $_scs_section_size  }
0x9b: {  	s6 =	simm.s32 $_size__tile_overlayer_lowered;
	s7 =	simm.s32 $_tile_overlayer_lowered  }
0x9c: {  	s22 =	simm.s32 $0x1BFF;
	s21 =	sshll.u32 s7, $0x1;
	s4 =	sadd.s32 s5, s19  }
0x9d: {  	s8 =	simm.s32 $0x0;
	s20 =	sshll.u32 s6, $0x1;
	s6 =	sadd.s32 s21, s4  }
0x9e: {  	[timem:s8], [sflag:s22] =	dma.local [hbm:s6], s20  }
0x9f: {  	_ =	swait.ge [sflag:s22], s20  }
0xa0: {  	s5 =	ssub.s32 $0x0, s20;
	[sflag:s22] =	ssyncset.done $0x0  }
0xa1: {  	[sflag:s22] =	ssyncadd.s32 s5;
	_ =	sdelay $0x1  }
0xa2: {  	s23 =	simm.s32 $0x1B8B  }
0xa3: {  	_ =	swait.ge [sflag:s23], $0x1  }
0xa4: {  	[sflag:s23] =	ssyncset.done $0x0  }
0xa5: {  	s25 =	simm.s32 $0x1B8E;
	s24 =	sld [smem:$0x3FFE];
	[sflag:s23] =	ssyncadd.s32 $0xFFFFFFFF  }
0xa6: {  	s26 =	simm.s32 $execute0_lowered;
	[smem:$0x3FD2] =	sst s25  }
0xa7: {  	s6 =	sshll.u32 s26, $0x1;
	_ =	strace $0x80000046;
	[dreg:$0x1] =	wrdreg $0xFFFFFFFF  }
0xa8: {  	s28 =	simm.s32 $_size_execute0_lowered;
	s4 =	sadd.s32 s4, s6;
	[dreg:$0x0] =	wrdreg $0x0  }
0xa9: {  	s6 =	sshll.u32 s28, $0x1;
	[dreg:$0x2] =	wrdreg s4  }
0xaa: {  	[dreg:$0x3] =	wrdreg s6  }
0xab: {  	[dreg:$0x4] =	wrdreg $0xC0  }
0xac: {  	_ =	task [dreg:s8], $0x5FFFF  }
0xad: {  	[dreg:$0x1] =	wrdreg $0xFFFFFFFF  }
0xae: {  	[dreg:$0x0] =	wrdreg $0x60  }
0xaf: {  	[dreg:$0x2] =	wrdreg s24  }
0xb0: {  	[dreg:$0x3] =	wrdreg s2  }
0xb1: {  	[dreg:$0x4] =	wrdreg s18  }
0xb2: {  	[dreg:$0x5] =	wrdreg $0x9  }
0xb3: {  	_ =	task.clear_ibuf [dreg:s8], $0x6FFFF;
	_ =	strace $0x90000046  }
0xb4: {  	s29 =	simm.s32 $0x9;
	_ =	strace $0x80000048  }
0xb5: {  	_ =	swait.ge [sflag:s29], $0x1  }
0xb6: {  	[sflag:s29] =	ssyncadd.s32 $0xFFFFFFFF  }
0xb7: {  	_ =	strace $0x90000048  }
0xb8: {  	_ =	sfence  }
0xb9: {  	s30 =	sld [smem:$0x0];
	_ =	sdelay $0x2  }
0xba: {  	s31 =	sshll.u32 s1, $0xD;
	s1 =	sshrl.u32 s1, $0x2  }
0xbb: {  	s3 =	sand.u32 $0x4000, s31;
	s1 =	sadd.s32 s1, s30  }
0xbc: {  	s0 =	sor.u32 s3, s0;
	s1 =	sshll.u32 s1, $0x11  }
0xbd: {  	s0 =	sor.u32 s1, s0  }
0xbe: {  	s0 =	sadd.s32 $0x8F2B, s0  }
0xbf: {  	[sflag:s0] =	ssyncadd.remote.s32 $0x1  }
0xc0: {  	_ =	sfence.sel $0xFFFF  }
0xc1: {  	[dreg:$0x0] =	wrdreg $0xFFFFFFFF;
	(pc) =	sbr.abs _section_cstart, $3  }
0xc2: {  	[dreg:$0x1] =	wrdreg $0xFFFFFFFF  }
0xc3: {  	_ =	task.clear_ibuf [dreg:s8], $0x2FFFF;
	_ =	strace $0x9FFFFFFF  }
0xc4: {  	(tm) =	ssettm $0x7FFFFFFF  }
0xc5: {  	_ =	shalt  }
tec
execute0_lowered:
.L_overlay_start_1:
0x0: {  	(tag) =	ssettag $0x1  }
0x1: {  	s5 =	rddreg [dreg:$0x0]  }
0x2: {  	s2 =	rddreg [dreg:$0x1]  }
0x3: {  	s3 =	rddreg [dreg:$0x2]  }
0x4: {  	s0 =	rddreg [dreg:$0x3]  }
0x5: {  	s6 =	srdreg.scid;
	s1 =	stileid.u32;
	s4 =	simm.s32 $0x0  }
0x6: {  	s12 =	simm.s32 $0x2;
	s13 =	simm.s32 $0x4800;
	s14 =	simm.s32 $0x3  }
0x7: {  	s6 =	sand.u32 $0x1, s6;
	s7 =	smul.u32 $0x190, s1;
	s8 =	sshll.u32 s1, $0x1  }
0x8: {  	s9 =	smul.u32 $0xC8, s6;
	s10 =	ssub.s32 $0x2, s6;
	s6 =	sor.u32 s6, s8  }
0x9: {  	s15 =	simm.s32 $0x0;
	[smem:$0x7FF] =	sst s4;
	s11 =	smul.u32 $0xC80, s6  }
.Ltmp0:
0xa: {  	s31 =	sadd.s32 $0x400, s5;
	_ =	strace $0x80000047;
	(pc) =	sbr.rel .LBB2_1-.Ltmp0, $4  }
0xb: {  	s30 =	sshrl.u32 s10, $0x1;
	s5 =	smul.u32 $0xC8, s6;
	s7 =	sadd.s32 s9, s7  }
0xc: {  	s8 =	ssub.s32 s10, s30;
	s10 =	simm.s32 $0x80;
	s7 =	sshll.u32 s7, $0x4  }
0xd: {  	s6 =	sadd.s32 s31, s11;
	s11 =	simm.s32 $0x800;
	s9 =	sadd.s32 s7, s31  }
0xe: {  	s7 =	smax.u32 s8, $0x1;
	s8 =	sadd.s32 $0x80, s9;
	s9 =	simm.s32 $0x1  }
.LBB2_5:
0xf: {  	s15 =	sadd.s32 $0x1, s15  }
0x10: {  	_ =	swait.ge [sflag:s14], $0x4000;
	p0 =	sne.s32 s15, s7  }
.Ltmp1:
0x11: {  	[sflag:s14] =	ssyncset.done $0x0;
	(pc) =	sbr.rel @!p0 .LBB2_6-.Ltmp1, $4  }
0x12: {  	[sflag:s14] =	ssyncadd.s32 $0xFFFFC000  }
0x13: {  	_ =	swait.ge [sflag:s14], $0x4000  }
0x14: {  	[sflag:s14] =	ssyncset.done $0x0  }
0x15: {  	[sflag:s14] =	ssyncadd.s32 $0xFFFFC000  }
.LBB2_1:
.Ltmp2:
0x16: {  	(pc) =	sbr.rel .LBB2_2-.Ltmp2, $3  }
0x17: {  	_ =	sdelay $0x1  }
0x18: {  	[tilespmem:s4], [sflag:$0x1] =	stream.linear.gather [hbm4b:s6+s4], $0x400, $0x38;
	[tilespmem:$0x8800] =	vst v63  }
0x19: {  	s16 =	smov.u32 s8;
	s17 =	simm.s32 $0x0;
	s18 =	simm.s32 $0x0  }
.LBB2_4:
0x1a: {  	[tilespmem:s11], [sflag:$0x2] =	stream.indirect.gather [hbm4b:s2+s10], $0x80, s19, s10, $0xb8;
	[tilespmem:$0x8800] =	vst v63  }
0x1b: {  	s21 =	sadd.s32 s5, s20;
	_ =	swait.ge [sflag:s12], $0x4000  }
0x1c: {  	s21 =	sshll.u32 s21, $0xB;
	[sflag:s12] =	ssyncset.done $0x0  }
0x1d: {  	p0 =	seq.s32 s17, $0x0;
	s21 =	sadd.s32 s3, s21;
	[sflag:s12] =	ssyncadd.s32 $0xFFFFC000  }
0x1e: {  	[hbm4b:s21+s4] =	stream.linear.scatter [tilespmem:s11], [sflag:$0x3], $0x4000, $0x38;
	[tilespmem:$0x8800] =	vst v63  }
0x1f: {  	s21 =	simm.s32 @!p0 $0x3  }
0x20: {  	_ =	swait.ge @!p0 [sflag:s21], $0x4000  }
0x21: {  	[sflag:s21] =	ssyncset.done @!p0 $0x0  }
0x22: {  	s22 =	sor.u32 $0x1, s20;
	s25 =	sadd.s32 $0x80, s19;
	[sflag:s21] =	ssyncadd.s32 @!p0 $0xFFFFC000  }
0x23: {  	[tilespmem:s13], [sflag:$0x2] =	stream.indirect.gather [hbm4b:s2+s10], $0x80, s25, s10, $0xb8;
	[tilespmem:$0x8800] =	vst v63  }
0x24: {  	s26 =	sadd.s32 s5, s22;
	_ =	swait.ge [sflag:s12], $0x4000  }
0x25: {  	s21 =	sshll.u32 s26, $0xB;
	[sflag:s12] =	ssyncset.done $0x0  }
0x26: {  	s21 =	sadd.s32 s3, s21;
	[sflag:s12] =	ssyncadd.s32 $0xFFFFC000  }
0x27: {  	[hbm4b:s21+s4] =	stream.linear.scatter [tilespmem:s13], [sflag:$0x3], $0x4000, $0x38;
	[tilespmem:$0x8800] =	vst v63  }
0x28: {  	_ =	swait.ge [sflag:s14], $0x4000  }
0x29: {  	[sflag:s14] =	ssyncset.done $0x0  }
0x2a: {  	s28 =	sadd.s32 $0x100, s19;
	s29 =	sadd.s32 s20, s5;
	[sflag:s14] =	ssyncadd.s32 $0xFFFFC000  }
0x2b: {  	[tilespmem:s11], [sflag:$0x2] =	stream.indirect.gather [hbm4b:s2+s10], $0x80, s28, s10, $0xb8;
	[tilespmem:$0x8800] =	vst v63  }
0x2c: {  	s20 =	sshll.u32 s29, $0xB;
	_ =	swait.ge [sflag:s12], $0x4000  }
0x2d: {  	s20 =	sadd.s32 s3, s20;
	[sflag:s12] =	ssyncset.done $0x0  }
0x2e: {  	s30 =	sadd.s32 $0x1000, s20;
	[sflag:s12] =	ssyncadd.s32 $0xFFFFC000  }
0x2f: {  	[hbm4b:s30+s4] =	stream.linear.scatter [tilespmem:s11], [sflag:$0x3], $0x4000, $0x38;
	[tilespmem:$0x8800] =	vst v63  }
0x30: {  	_ =	swait.ge [sflag:s14], $0x4000  }
0x31: {  	[sflag:s14] =	ssyncset.done $0x0  }
0x32: {  	s31 =	sadd.s32 $0x180, s19;
	[sflag:s14] =	ssyncadd.s32 $0xFFFFC000  }
0x33: {  	[tilespmem:s13], [sflag:$0x2] =	stream.indirect.gather [hbm4b:s2+s10], $0x80, s31, s10, $0xb8;
	[tilespmem:$0x8800] =	vst v63  }
0x34: {  	_ =	swait.ge [sflag:s12], $0x4000  }
0x35: {  	[sflag:s12] =	ssyncset.done $0x0  }
0x36: {  	s22 =	sadd.s32 $0x1800, s20;
	[sflag:s12] =	ssyncadd.s32 $0xFFFFC000  }
0x37: {  	[hbm4b:s22+s4] =	stream.linear.scatter [tilespmem:s13], [sflag:$0x3], $0x4000, $0x38;
	[tilespmem:$0x8800] =	vst v63  }
0x38: {  	_ =	swait.ge [sflag:s14], $0x4000  }
0x39: {  	[sflag:s14] =	ssyncset.done $0x0  }
0x3a: {  	s23 =	sadd.s32 $0x200, s19;
	[sflag:s14] =	ssyncadd.s32 $0xFFFFC000  }
0x3b: {  	[tilespmem:s11], [sflag:$0x2] =	stream.indirect.gather [hbm4b:s2+s10], $0x80, s23, s10, $0xb8;
	[tilespmem:$0x8800] =	vst v63  }
0x3c: {  	_ =	swait.ge [sflag:s12], $0x4000  }
0x3d: {  	[sflag:s12] =	ssyncset.done $0x0  }
0x3e: {  	s24 =	sadd.s32 $0x2000, s20;
	[sflag:s12] =	ssyncadd.s32 $0xFFFFC000  }
0x3f: {  	[hbm4b:s24+s4] =	stream.linear.scatter [tilespmem:s11], [sflag:$0x3], $0x4000, $0x38;
	[tilespmem:$0x8800] =	vst v63  }
0x40: {  	_ =	swait.ge [sflag:s14], $0x4000  }
0x41: {  	[sflag:s14] =	ssyncset.done $0x0  }
0x42: {  	s25 =	sadd.s32 $0x280, s19;
	[sflag:s14] =	ssyncadd.s32 $0xFFFFC000  }
0x43: {  	[tilespmem:s13], [sflag:$0x2] =	stream.indirect.gather [hbm4b:s2+s10], $0x80, s25, s10, $0xb8;
	[tilespmem:$0x8800] =	vst v63  }
0x44: {  	_ =	swait.ge [sflag:s12], $0x4000  }
0x45: {  	[sflag:s12] =	ssyncset.done $0x0  }
0x46: {  	s26 =	sadd.s32 $0x2800, s20;
	[sflag:s12] =	ssyncadd.s32 $0xFFFFC000  }
0x47: {  	[hbm4b:s26+s4] =	stream.linear.scatter [tilespmem:s13], [sflag:$0x3], $0x4000, $0x38;
	[tilespmem:$0x8800] =	vst v63  }
0x48: {  	_ =	swait.ge [sflag:s14], $0x4000  }
0x49: {  	[sflag:s14] =	ssyncset.done $0x0  }
0x4a: {  	s28 =	sadd.s32 $0x300, s19;
	[sflag:s14] =	ssyncadd.s32 $0xFFFFC000  }
0x4b: {  	[tilespmem:s11], [sflag:$0x2] =	stream.indirect.gather [hbm4b:s2+s10], $0x80, s28, s10, $0xb8;
	[tilespmem:$0x8800] =	vst v63  }
0x4c: {  	_ =	swait.ge [sflag:s12], $0x4000  }
0x4d: {  	[sflag:s12] =	ssyncset.done $0x0  }
0x4e: {  	s29 =	sadd.s32 $0x3000, s20;
	[sflag:s12] =	ssyncadd.s32 $0xFFFFC000  }
0x4f: {  	[hbm4b:s29+s4] =	stream.linear.scatter [tilespmem:s11], [sflag:$0x3], $0x4000, $0x38;
	[tilespmem:$0x8800] =	vst v63  }
0x50: {  	_ =	swait.ge [sflag:s14], $0x4000  }
0x51: {  	s17 =	sadd.s32 $0x8, s17;
	[sflag:s14] =	ssyncset.done $0x0  }
0x52: {  	p0 =	sne.s32 s17, $0xC8;
	s30 =	sadd.s32 $0x380, s19;
	[sflag:s14] =	ssyncadd.s32 $0xFFFFC000  }
0x53: {  	[tilespmem:s13], [sflag:$0x2] =	stream.indirect.gather [hbm4b:s2+s10], $0x80, s30, s10, $0xb8;
	[tilespmem:$0x8800] =	vst v63  }
.Ltmp3:
0x54: {  	_ = 	snop;
	(pc) =	sbr.rel @!p0 .LBB2_5-.Ltmp3, $4  }
0x55: {  	_ =	swait.ge [sflag:s12], $0x4000  }
0x56: {  	s16 =	sadd.s32 $0x80, s16;
	[sflag:s12] =	ssyncset.done $0x0  }
0x57: {  	s18 =	sadd.s32 $0x1, s18;
	s31 =	sadd.s32 $0x3800, s20;
	[sflag:s12] =	ssyncadd.s32 $0xFFFFC000  }
0x58: {  	[hbm4b:s31+s4] =	stream.linear.scatter [tilespmem:s13], [sflag:$0x3], $0x4000, $0x38;
	[tilespmem:$0x8800] =	vst v63  }
.LBB2_2:
0x59: {  	p0 =	seq.s32 s17, $0xC0  }
0x5a: {  	p1 =	seq.s32 @!p0 s17, $0x0  }
0x5b: {  	p1 =	por p0, !p1  }
.Ltmp4:
0x5c: {  	_ = 	snop;
	(pc) =	sbr.rel @!p1 .LBB2_4-.Ltmp4, $4  }
0x5d: {  	_ =	swait.ge [sflag:s9], $0x400;
	s19 =	sshll.u32 @!p0 s18, $0xA  }
0x5e: {  	[sflag:s9] =	ssyncset.done $0x0;
	s19 =	sand.u32 @!p0 $0x400, s19  }
0x5f: {  	s20 =	simm.s32 @!p0 $0x0;
	[sflag:s9] =	ssyncadd.s32 $0xFFFFFC00;
	s21 =	sxor.u32 @!p0 $0x400, s19  }
0x60: {  	[tilespmem:s21], [sflag:$0x1] =	stream.linear.gather @!p0 [hbm4b:s16+s20], $0x400, $0x38;
	[tilespmem:$0x8800] =	vst v63  }
.Ltmp5:
0x61: {  	(pc) =	sbr.rel .LBB2_4-.Ltmp5, $4  }
0x62: {  	_ = 	snop  }
0x63: {  	_ =	swait.ge [sflag:s14], $0x4000  }
0x64: {  	s20 =	smov.u32 s17;
	[sflag:s14] =	ssyncset.done $0x0  }
0x65: {  	s19 =	simm.s32 @p0 $0x0;
	s20 =	simm.s32 @p0 $0xC0;
	[sflag:s14] =	ssyncadd.s32 $0xFFFFC000  }
.LBB2_6:
0x66: {  	_ =	sfence.sel $0x180000  }
0x67: {  	[bflag:$0x0] =	sbarrier.arrive $0xFFFF  }
0x68: {  	p0 =	sne.s32 s1, $0x0;
	_ =	strace $0x90000047  }
0x69: {  	s0 =	sadd.s32 @!p0 $0x100000, s0;
	[bflag:$0x2] =	sbarrier.arrive $0xFFFF  }
0x6a: {  	[sflag:s0] =	ssyncadd.tile.s32 @!p0 $0x1;
	_ =	shalt  }
.Lfunc_end2:
_tile_overlayer_lowered:
.L_overlay_start_2:
0x6b: {  	(tag) =	ssettag $0x2  }
0x6c: {  	s0 =	rddreg [dreg:$0x0];
	s2 =	stileid.u32  }
0x6d: {  	s1 =	rddreg [dreg:$0x1];
	p0 =	sne.s32 s2, $0x0  }
0x6e: {  	s3 =	rddreg [dreg:$0x2];
	[bflag:$0x3] =	sbarrier.arrive $0xFFFF;
	s2 =	simm.s32 @!p0 $0x1C04  }
0x6f: {  	[timem:s3], [sflag:s2] =	dma.local @!p0 [hbm:s0], s1  }
0x70: {  	s0 =	simm.s32 @!p0 $0x4  }
0x71: {  	_ =	swait.ge @!p0 [sflag:s0], s1  }
0x72: {  	s1 =	ssub.s32 @!p0 $0x0, s1;
	[sflag:s0] =	ssyncset.done @!p0 $0x0  }
0x73: {  	[sflag:s0] =	ssyncadd.s32 @!p0 s1  }
0x74: {  	[bflag:$0x3] =	sbarrier.arrive $0xFFFF  }
0x75: {  	_ =	shalt  }

</sc_bundles>
